<compile_context>
chip_gen: v7x
topology: tpu7x:2x2x1
jax: 0.10.2.dev20260603
libtpu: 0.0.44.dev20260713+nightly
codegen_flags: <defaults>
</compile_context>

<pallas_src>
import functools

import jax
import jax.numpy as jnp
from jax import lax
from jax.experimental import pallas as pl
from jax.experimental.pallas import tpu as pltpu
from jax.experimental.pallas import tpu_sc as plsc

H = 128
EPS = 1e-12
NC, NS = 2, 16
NW = NC * NS
IDXW = 128
RING = 5
PIECES = 2
RB = 32


@functools.partial(jax.jit, static_argnames=("bs",))
def _sc_gather(table, idx3d, bs):
    b_per_w = bs // NW
    k = b_per_w // IDXW
    assert k % RING == 0 and k >= 2 * RING
    mesh = plsc.VectorSubcoreMesh(core_axis_name="c", subcore_axis_name="s")

    @functools.partial(
        pl.kernel,
        mesh=mesh,
        out_type=jax.ShapeDtypeStruct((bs, H), jnp.float32),
        scratch_types=(
            [pltpu.VMEM((k, IDXW), jnp.int32)]
            + [pltpu.VMEM((IDXW, H), jnp.float32) for _ in range(RING)]
            + [pltpu.SemaphoreType.DMA for _ in range(RING)]
        ),
    )
    def gk(table_hbm, idx_hbm, out_hbm, idx_v, *bufs_sems):
        rows = bufs_sems[:RING]
        sems = bufs_sems[RING:]
        wid = lax.axis_index("s") * NC + lax.axis_index("c")
        base = wid * b_per_w
        pltpu.sync_copy(idx_hbm.at[wid], idx_v)

        def start(j, b):
            pltpu.async_copy(table_hbm.at[idx_v.at[j]], rows[b], sems[b])

        def drain(j, b):
            pltpu.make_async_copy(
                table_hbm.at[idx_v.at[j]], rows[b], sems[b]).wait()
            pltpu.sync_copy(
                rows[b], out_hbm.at[pl.ds(base + j * IDXW, IDXW)])

        for b in range(RING):
            start(b, b)

        @pl.loop(0, k - RING, step=RING)
        def _(j):
            for b in range(RING):
                drain(j + b, b)
                start(j + b + RING, b)

        for b in range(RING):
            drain(k - RING + b, b)

    return gk(table, idx3d)


def _ln_body(*refs):
    g_ref, pt_ref, w_ref, b_ref = refs[:4]
    o_ref = refs[-1]
    x = g_ref[...] + pt_ref[...][None]
    s1 = jnp.sum(x, axis=-1, keepdims=True)
    s2 = jnp.sum(x * x, axis=-1, keepdims=True)
    mean = s1 * (1.0 / H)
    var = s2 * (1.0 / H) - mean * mean
    o_ref[...] = (x - mean) * lax.rsqrt(var + EPS) * w_ref[...] + b_ref[...]


@functools.partial(jax.jit, static_argnames=("piece", "full_bsz"))
def _tc_ln_piece(gathered, pt, w, b, prev, piece, full_bsz):
    pbsz, s, _ = gathered.shape
    grid = (pbsz // RB,)
    row0 = piece * (pbsz // RB)
    in_specs = [
        pl.BlockSpec((RB, s, H), lambda i: (i, 0, 0)),
        pl.BlockSpec((s, H), lambda i: (0, 0)),
        pl.BlockSpec((1, H), lambda i: (0, 0)),
        pl.BlockSpec((1, H), lambda i: (0, 0)),
    ]
    args = [gathered, pt, w, b]
    aliases = {}
    if prev is not None:
        in_specs.append(pl.BlockSpec(memory_space=pl.ANY))
        args.append(prev)
        aliases = {4: 0}
    return pl.pallas_call(
        _ln_body,
        grid=grid,
        in_specs=in_specs,
        out_specs=pl.BlockSpec((RB, s, H), lambda i: (row0 + i, 0, 0)),
        out_shape=jax.ShapeDtypeStruct((full_bsz, s, H), jnp.float32),
        input_output_aliases=aliases,
        compiler_params=pltpu.CompilerParams(
            dimension_semantics=("arbitrary",)),
    )(*args)


def kernel(input_ids, word_embeddings, position_embeddings,
           token_type_embeddings, ln_weight, ln_bias):
    bsz, s = input_ids.shape
    bs = bsz * s
    pt = position_embeddings[:s] + token_type_embeddings[0]
    w = ln_weight.reshape(1, H)
    b = ln_bias.reshape(1, H)

    pbs = bs // PIECES
    pbsz = bsz // PIECES
    k = pbs // (NW * IDXW)
    ids = input_ids.astype(jnp.int32).reshape(-1)
    out = None
    for p in range(PIECES):
        idx3d = ids[p * pbs:(p + 1) * pbs].reshape(NW, k, IDXW)
        g = _sc_gather(word_embeddings, idx3d, pbs)
        out = _tc_ln_piece(g.reshape(pbsz, s, H), pt, w, b, out,
                           piece=p, full_bsz=bsz)
    return out

# --- scband reference (transcript-rebuilt; emitter-appended) ---
"""Pipeline reference for scband-bert-embeddings-7722351198895 (READ-ONLY COPY).

The authoritative reference and input builder live on the scoring server;
editing this copy changes nothing except your own understanding.
"""

import jax, jax.numpy as jnp
import numpy as np

VOCAB = 1000000
HIDDEN = 128
MAX_POS = 512
TYPE_VOCAB = 2
B, S = 1024, 200
EPS = 1e-12

def setup_inputs(seed: int = 0) -> dict:
    key = jax.random.key(seed)
    k1, k2, k3, k4, k5 = jax.random.split(key, 5)
    input_ids = jax.random.randint(k1, (B, S), 0, VOCAB, dtype=jnp.int64 if jax.config.jax_enable_x64 else jnp.int32)
    word_embeddings = jax.random.normal(k2, (VOCAB, HIDDEN), dtype=jnp.float32) * 0.02
    # padding_idx=0 row zeroed as in nn.Embedding(padding_idx=0)
    word_embeddings = word_embeddings.at[0].set(0.0)
    position_embeddings = jax.random.normal(k3, (MAX_POS, HIDDEN), dtype=jnp.float32) * 0.02
    token_type_embeddings = jax.random.normal(k4, (TYPE_VOCAB, HIDDEN), dtype=jnp.float32) * 0.02
    ln_weight = jnp.ones((HIDDEN,), dtype=jnp.float32)
    ln_bias = jnp.zeros((HIDDEN,), dtype=jnp.float32)
    return {
        "input_ids": input_ids,
        "word_embeddings": word_embeddings,
        "position_embeddings": position_embeddings,
        "token_type_embeddings": token_type_embeddings,
        "ln_weight": ln_weight,
        "ln_bias": ln_bias,
    }

def _layer_norm(x, g, b, eps):
    mean = jnp.mean(x, axis=-1, keepdims=True)
    var = jnp.mean(jnp.square(x - mean), axis=-1, keepdims=True)
    return (x - mean) / jnp.sqrt(var + eps) * g + b

def reference(input_ids, word_embeddings, position_embeddings, token_type_embeddings, ln_weight, ln_bias):
    seq_length = input_ids.shape[1]
    position_ids = jnp.arange(seq_length)[None, :]  # [1, S]
    token_type_ids = jnp.zeros(input_ids.shape, dtype=input_ids.dtype)
    inputs_embeds = jnp.take(word_embeddings, input_ids, axis=0)            # [B, S, H]
    pos_embeds = jnp.take(position_embeddings, position_ids, axis=0)        # [1, S, H]
    type_embeds = jnp.take(token_type_embeddings, token_type_ids, axis=0)   # [B, S, H]
    embeddings = inputs_embeds + pos_embeds + type_embeds
    embeddings = _layer_norm(embeddings, ln_weight, ln_bias, EPS)
    # dropout p=0.0 -> identity
    return embeddings

if __name__ == "__main__":
    import jax
    _d = setup_inputs()
    print(jax.jit(kernel)(*tuple(_d.values())))

</pallas_src>

<mosaic_0001>
#map = affine_map<(d0, d1) -> (0, 0)>
#map1 = affine_map<(d0, d1) -> (0, 0, 0)>
module attributes {stable_mosaic.version = 14 : i64} {
  func.func @gk(%arg0: i32, %arg1: i32, %arg2: memref<1000000x128xf32, #tpu.memory_space<hbm>>, %arg3: memref<32x25x128xi32, #tpu.memory_space<hbm>>, %arg4: memref<102400x128xf32, #tpu.memory_space<hbm>>, %arg5: memref<25x128xi32, #tpu.memory_space<vmem>>, %arg6: memref<128x128xf32, #tpu.memory_space<vmem>>, %arg7: memref<128x128xf32, #tpu.memory_space<vmem>>, %arg8: memref<128x128xf32, #tpu.memory_space<vmem>>, %arg9: memref<128x128xf32, #tpu.memory_space<vmem>>, %arg10: memref<128x128xf32, #tpu.memory_space<vmem>>, %arg11: memref<!tpu.dma_semaphore, #tpu.memory_space<semaphore_mem>>, %arg12: memref<!tpu.dma_semaphore, #tpu.memory_space<semaphore_mem>>, %arg13: memref<!tpu.dma_semaphore, #tpu.memory_space<semaphore_mem>>, %arg14: memref<!tpu.dma_semaphore, #tpu.memory_space<semaphore_mem>>, %arg15: memref<!tpu.dma_semaphore, #tpu.memory_space<semaphore_mem>>) attributes {dimension_semantics = [#tpu.dimension_semantics<core_parallel>, #tpu.dimension_semantics<subcore_parallel>], iteration_bounds = array<i64: 2, 16>, scalar_prefetch = 0 : i64, scratch_operands = 11 : i64, tpu.core_type = #tpu.core_type<sc_vector_subcore>, window_params = [{transform_indices = #map}, {transform_indices = #map1}, {transform_indices = #map}]} {
    %mul3A = arith.constant 2 : i32
    %mul3A_0 = arith.muli %arg1, %mul3A : i32
    %add3A = arith.addi %mul3A_0, %arg0 : i32
    %mul3A_1 = arith.constant 3200 : i32
    %mul3A_2 = arith.muli %add3A, %mul3A_1 : i32
    "tpu.region"() ({
      %run_scoped3A = tpu.sem_alloc : memref<!tpu.dma_semaphore, #tpu.memory_space<semaphore_mem>>
      %dma_start3A_85 = arith.constant 0 : i32
      %dma_start3A_86 = arith.constant 0 : i32
      %dma_start3A_87 = tpu.memref_slice %arg3[%add3A, %dma_start3A_85, %dma_start3A_86] : memref<32x25x128xi32, #tpu.memory_space<hbm>> -> memref<1x25x128xi32, #tpu.memory_space<hbm>>
      %dma_start3A_88 = tpu.memref_squeeze %dma_start3A_87 : memref<1x25x128xi32, #tpu.memory_space<hbm>> -> memref<25x128xi32, #tpu.memory_space<hbm>>
      %dma_start3A_89 = arith.constant 0 : i32
      %dma_start3A_90 = arith.constant 0 : i32
      %dma_start3A_91 = tpu.memref_slice %arg3[%add3A, %dma_start3A_89, %dma_start3A_90] : memref<32x25x128xi32, #tpu.memory_space<hbm>> -> memref<1x25x128xi32, #tpu.memory_space<hbm>>
      %dma_start3A_92 = tpu.memref_squeeze %dma_start3A_91 : memref<1x25x128xi32, #tpu.memory_space<hbm>> -> memref<25x128xi32, #tpu.memory_space<hbm>>
      tpu.enqueue_dma source(%dma_start3A_92 : memref<25x128xi32, #tpu.memory_space<hbm>>) target(%arg5 : memref<25x128xi32, #tpu.memory_space<vmem>>) target_semaphore(%run_scoped3A : memref<!tpu.dma_semaphore, #tpu.memory_space<semaphore_mem>>)
      %dma_wait3A_93 = arith.constant 0 : i32
      %dma_wait3A_94 = arith.constant 0 : i32
      %dma_wait3A_95 = tpu.memref_slice %arg3[%add3A, %dma_wait3A_93, %dma_wait3A_94] : memref<32x25x128xi32, #tpu.memory_space<hbm>> -> memref<1x25x128xi32, #tpu.memory_space<hbm>>
      %dma_wait3A_96 = tpu.memref_squeeze %dma_wait3A_95 : memref<1x25x128xi32, #tpu.memory_space<hbm>> -> memref<25x128xi32, #tpu.memory_space<hbm>>
      %dma_wait3A_97 = arith.constant 0 : i32
      %dma_wait3A_98 = arith.constant 0 : i32
      %dma_wait3A_99 = tpu.memref_slice %arg3[%add3A, %dma_wait3A_97, %dma_wait3A_98] : memref<32x25x128xi32, #tpu.memory_space<hbm>> -> memref<1x25x128xi32, #tpu.memory_space<hbm>>
      %dma_wait3A_100 = tpu.memref_squeeze %dma_wait3A_99 : memref<1x25x128xi32, #tpu.memory_space<hbm>> -> memref<25x128xi32, #tpu.memory_space<hbm>>
      tpu.wait_dma2 semaphore(%run_scoped3A : memref<!tpu.dma_semaphore, #tpu.memory_space<semaphore_mem>>) src(%dma_wait3A_100 : memref<25x128xi32, #tpu.memory_space<hbm>>) dst(%arg5 : memref<25x128xi32, #tpu.memory_space<vmem>>)
      tpu.yield
    }) : () -> ()
    %dma_start3A = arith.constant 0 : i32
    %dma_start3A_3 = arith.constant 0 : i32
    %dma_start3A_4 = tpu.memref_slice %arg5[%dma_start3A, %dma_start3A_3] : memref<25x128xi32, #tpu.memory_space<vmem>> -> memref<1x128xi32, #tpu.memory_space<vmem>>
    %dma_start3A_5 = tpu.memref_squeeze %dma_start3A_4 : memref<1x128xi32, #tpu.memory_space<vmem>> -> memref<128xi32, #tpu.memory_space<vmem>>
    %dma_start3A_6 = arith.constant 0 : i32
    %dma_start3A_7 = arith.constant 0 : i32
    %dma_start3A_8 = tpu.memref_slice %arg2[%dma_start3A_6, %dma_start3A_7] : memref<1000000x128xf32, #tpu.memory_space<hbm>> -> memref<1000000x128xf32, #tpu.memory_space<hbm>>
    tpu.enqueue_indirect_dma source(%dma_start3A_8 : memref<1000000x128xf32, #tpu.memory_space<hbm>>) target(%arg6 : memref<128x128xf32, #tpu.memory_space<vmem>>) offsets(%dma_start3A_5 : memref<128xi32, #tpu.memory_space<vmem>>) semaphore(%arg11 : memref<!tpu.dma_semaphore, #tpu.memory_space<semaphore_mem>>)
    %dma_start3A_9 = arith.constant 1 : i32
    %dma_start3A_10 = arith.constant 0 : i32
    %dma_start3A_11 = tpu.memref_slice %arg5[%dma_start3A_9, %dma_start3A_10] : memref<25x128xi32, #tpu.memory_space<vmem>> -> memref<1x128xi32, #tpu.memory_space<vmem>>
    %dma_start3A_12 = tpu.memref_squeeze %dma_start3A_11 : memref<1x128xi32, #tpu.memory_space<vmem>> -> memref<128xi32, #tpu.memory_space<vmem>>
    %dma_start3A_13 = arith.constant 0 : i32
    %dma_start3A_14 = arith.constant 0 : i32
    %dma_start3A_15 = tpu.memref_slice %arg2[%dma_start3A_13, %dma_start3A_14] : memref<1000000x128xf32, #tpu.memory_space<hbm>> -> memref<1000000x128xf32, #tpu.memory_space<hbm>>
    tpu.enqueue_indirect_dma source(%dma_start3A_15 : memref<1000000x128xf32, #tpu.memory_space<hbm>>) target(%arg7 : memref<128x128xf32, #tpu.memory_space<vmem>>) offsets(%dma_start3A_12 : memref<128xi32, #tpu.memory_space<vmem>>) semaphore(%arg12 : memref<!tpu.dma_semaphore, #tpu.memory_space<semaphore_mem>>)
    %dma_start3A_16 = arith.constant 2 : i32
    %dma_start3A_17 = arith.constant 0 : i32
    %dma_start3A_18 = tpu.memref_slice %arg5[%dma_start3A_16, %dma_start3A_17] : memref<25x128xi32, #tpu.memory_space<vmem>> -> memref<1x128xi32, #tpu.memory_space<vmem>>
    %dma_start3A_19 = tpu.memref_squeeze %dma_start3A_18 : memref<1x128xi32, #tpu.memory_space<vmem>> -> memref<128xi32, #tpu.memory_space<vmem>>
    %dma_start3A_20 = arith.constant 0 : i32
    %dma_start3A_21 = arith.constant 0 : i32
    %dma_start3A_22 = tpu.memref_slice %arg2[%dma_start3A_20, %dma_start3A_21] : memref<1000000x128xf32, #tpu.memory_space<hbm>> -> memref<1000000x128xf32, #tpu.memory_space<hbm>>
    tpu.enqueue_indirect_dma source(%dma_start3A_22 : memref<1000000x128xf32, #tpu.memory_space<hbm>>) target(%arg8 : memref<128x128xf32, #tpu.memory_space<vmem>>) offsets(%dma_start3A_19 : memref<128xi32, #tpu.memory_space<vmem>>) semaphore(%arg13 : memref<!tpu.dma_semaphore, #tpu.memory_space<semaphore_mem>>)
    %dma_start3A_23 = arith.constant 3 : i32
    %dma_start3A_24 = arith.constant 0 : i32
    %dma_start3A_25 = tpu.memref_slice %arg5[%dma_start3A_23, %dma_start3A_24] : memref<25x128xi32, #tpu.memory_space<vmem>> -> memref<1x128xi32, #tpu.memory_space<vmem>>
    %dma_start3A_26 = tpu.memref_squeeze %dma_start3A_25 : memref<1x128xi32, #tpu.memory_space<vmem>> -> memref<128xi32, #tpu.memory_space<vmem>>
    %dma_start3A_27 = arith.constant 0 : i32
    %dma_start3A_28 = arith.constant 0 : i32
    %dma_start3A_29 = tpu.memref_slice %arg2[%dma_start3A_27, %dma_start3A_28] : memref<1000000x128xf32, #tpu.memory_space<hbm>> -> memref<1000000x128xf32, #tpu.memory_space<hbm>>
    tpu.enqueue_indirect_dma source(%dma_start3A_29 : memref<1000000x128xf32, #tpu.memory_space<hbm>>) target(%arg9 : memref<128x128xf32, #tpu.memory_space<vmem>>) offsets(%dma_start3A_26 : memref<128xi32, #tpu.memory_space<vmem>>) semaphore(%arg14 : memref<!tpu.dma_semaphore, #tpu.memory_space<semaphore_mem>>)
    %dma_start3A_30 = arith.constant 4 : i32
    %dma_start3A_31 = arith.constant 0 : i32
    %dma_start3A_32 = tpu.memref_slice %arg5[%dma_start3A_30, %dma_start3A_31] : memref<25x128xi32, #tpu.memory_space<vmem>> -> memref<1x128xi32, #tpu.memory_space<vmem>>
    %dma_start3A_33 = tpu.memref_squeeze %dma_start3A_32 : memref<1x128xi32, #tpu.memory_space<vmem>> -> memref<128xi32, #tpu.memory_space<vmem>>
    %dma_start3A_34 = arith.constant 0 : i32
    %dma_start3A_35 = arith.constant 0 : i32
    %dma_start3A_36 = tpu.memref_slice %arg2[%dma_start3A_34, %dma_start3A_35] : memref<1000000x128xf32, #tpu.memory_space<hbm>> -> memref<1000000x128xf32, #tpu.memory_space<hbm>>
    tpu.enqueue_indirect_dma source(%dma_start3A_36 : memref<1000000x128xf32, #tpu.memory_space<hbm>>) target(%arg10 : memref<128x128xf32, #tpu.memory_space<vmem>>) offsets(%dma_start3A_33 : memref<128xi32, #tpu.memory_space<vmem>>) semaphore(%arg15 : memref<!tpu.dma_semaphore, #tpu.memory_space<semaphore_mem>>)
    %scan3A = arith.constant 0 : i32
    %scan3A_37 = arith.constant 4 : i32
    %scan3A_38 = arith.addi %scan3A, %scan3A_37 : i32
    %scan3A_39 = arith.constant 1 : i32
    scf.for %scan3A_85 = %scan3A to %scan3A_38 step %scan3A_39  : i32 {
      %mul3A_86 = arith.constant 5 : i32
      %mul3A_87 = arith.muli %scan3A_85, %mul3A_86 : i32
      %add3A_88 = arith.constant 0 : i32
      %add3A_89 = arith.addi %add3A_88, %mul3A_87 : i32
      %add3A_90 = arith.constant 0 : i32
      %add3A_91 = arith.addi %add3A_89, %add3A_90 : i32
      %dma_wait3A_92 = arith.constant 0 : i32
      %dma_wait3A_93 = tpu.memref_slice %arg5[%add3A_91, %dma_wait3A_92] : memref<25x128xi32, #tpu.memory_space<vmem>> -> memref<1x128xi32, #tpu.memory_space<vmem>>
      %dma_wait3A_94 = tpu.memref_squeeze %dma_wait3A_93 : memref<1x128xi32, #tpu.memory_space<vmem>> -> memref<128xi32, #tpu.memory_space<vmem>>
      %dma_wait3A_95 = arith.constant 0 : i32
      %dma_wait3A_96 = arith.constant 0 : i32
      %dma_wait3A_97 = tpu.memref_slice %arg2[%dma_wait3A_95, %dma_wait3A_96] : memref<1000000x128xf32, #tpu.memory_space<hbm>> -> memref<1000000x128xf32, #tpu.memory_space<hbm>>
      tpu.wait_indirect_dma semaphore(%arg11 : memref<!tpu.dma_semaphore, #tpu.memory_space<semaphore_mem>>) src(%dma_wait3A_97 : memref<1000000x128xf32, #tpu.memory_space<hbm>>) dst(%arg6 : memref<128x128xf32, #tpu.memory_space<vmem>>)
      %mul3A_98 = arith.constant 128 : i32
      %mul3A_99 = arith.muli %add3A_91, %mul3A_98 : i32
      %add3A_100 = arith.addi %mul3A_2, %mul3A_99 : i32
      "tpu.region"() ({
        %run_scoped3A = tpu.sem_alloc : memref<!tpu.dma_semaphore, #tpu.memory_space<semaphore_mem>>
        %dma_start3A_195 = arith.constant 0 : i32
        %dma_start3A_196 = tpu.memref_slice %arg4[%add3A_100, %dma_start3A_195] : memref<102400x128xf32, #tpu.memory_space<hbm>> -> memref<128x128xf32, #tpu.memory_space<hbm>>
        %dma_start3A_197 = arith.constant 0 : i32
        %dma_start3A_198 = tpu.memref_slice %arg4[%add3A_100, %dma_start3A_197] : memref<102400x128xf32, #tpu.memory_space<hbm>> -> memref<128x128xf32, #tpu.memory_space<hbm>>
        tpu.enqueue_dma source(%arg6 : memref<128x128xf32, #tpu.memory_space<vmem>>) target(%dma_start3A_198 : memref<128x128xf32, #tpu.memory_space<hbm>>) target_semaphore(%run_scoped3A : memref<!tpu.dma_semaphore, #tpu.memory_space<semaphore_mem>>)
        %dma_wait3A_199 = arith.constant 0 : i32
        %dma_wait3A_200 = tpu.memref_slice %arg4[%add3A_100, %dma_wait3A_199] : memref<102400x128xf32, #tpu.memory_space<hbm>> -> memref<128x128xf32, #tpu.memory_space<hbm>>
        %dma_wait3A_201 = arith.constant 0 : i32
        %dma_wait3A_202 = tpu.memref_slice %arg4[%add3A_100, %dma_wait3A_201] : memref<102400x128xf32, #tpu.memory_space<hbm>> -> memref<128x128xf32, #tpu.memory_space<hbm>>
        tpu.wait_dma2 semaphore(%run_scoped3A : memref<!tpu.dma_semaphore, #tpu.memory_space<semaphore_mem>>) src(%arg6 : memref<128x128xf32, #tpu.memory_space<vmem>>) dst(%dma_wait3A_202 : memref<128x128xf32, #tpu.memory_space<hbm>>)
        tpu.yield
      }) : () -> ()
      %add3A_101 = arith.constant 0 : i32
      %add3A_102 = arith.addi %add3A_89, %add3A_101 : i32
      %add3A_103 = arith.constant 5 : i32
      %add3A_104 = arith.addi %add3A_102, %add3A_103 : i32
      %dma_start3A_105 = arith.constant 0 : i32
      %dma_start3A_106 = tpu.memref_slice %arg5[%add3A_104, %dma_start3A_105] : memref<25x128xi32, #tpu.memory_space<vmem>> -> memref<1x128xi32, #tpu.memory_space<vmem>>
      %dma_start3A_107 = tpu.memref_squeeze %dma_start3A_106 : memref<1x128xi32, #tpu.memory_space<vmem>> -> memref<128xi32, #tpu.memory_space<vmem>>
      %dma_start3A_108 = arith.constant 0 : i32
      %dma_start3A_109 = arith.constant 0 : i32
      %dma_start3A_110 = tpu.memref_slice %arg2[%dma_start3A_108, %dma_start3A_109] : memref<1000000x128xf32, #tpu.memory_space<hbm>> -> memref<1000000x128xf32, #tpu.memory_space<hbm>>
      tpu.enqueue_indirect_dma source(%dma_start3A_110 : memref<1000000x128xf32, #tpu.memory_space<hbm>>) target(%arg6 : memref<128x128xf32, #tpu.memory_space<vmem>>) offsets(%dma_start3A_107 : memref<128xi32, #tpu.memory_space<vmem>>) semaphore(%arg11 : memref<!tpu.dma_semaphore, #tpu.memory_space<semaphore_mem>>)
      %add3A_111 = arith.constant 1 : i32
      %add3A_112 = arith.addi %add3A_89, %add3A_111 : i32
      %dma_wait3A_113 = arith.constant 0 : i32
      %dma_wait3A_114 = tpu.memref_slice %arg5[%add3A_112, %dma_wait3A_113] : memref<25x128xi32, #tpu.memory_space<vmem>> -> memref<1x128xi32, #tpu.memory_space<vmem>>
      %dma_wait3A_115 = tpu.memref_squeeze %dma_wait3A_114 : memref<1x128xi32, #tpu.memory_space<vmem>> -> memref<128xi32, #tpu.memory_space<vmem>>
      %dma_wait3A_116 = arith.constant 0 : i32
      %dma_wait3A_117 = arith.constant 0 : i32
      %dma_wait3A_118 = tpu.memref_slice %arg2[%dma_wait3A_116, %dma_wait3A_117] : memref<1000000x128xf32, #tpu.memory_space<hbm>> -> memref<1000000x128xf32, #tpu.memory_space<hbm>>
      tpu.wait_indirect_dma semaphore(%arg12 : memref<!tpu.dma_semaphore, #tpu.memory_space<semaphore_mem>>) src(%dma_wait3A_118 : memref<1000000x128xf32, #tpu.memory_space<hbm>>) dst(%arg7 : memref<128x128xf32, #tpu.memory_space<vmem>>)
      %mul3A_119 = arith.constant 128 : i32
      %mul3A_120 = arith.muli %add3A_112, %mul3A_119 : i32
      %add3A_121 = arith.addi %mul3A_2, %mul3A_120 : i32
      "tpu.region"() ({
        %run_scoped3A = tpu.sem_alloc : memref<!tpu.dma_semaphore, #tpu.memory_space<semaphore_mem>>
        %dma_start3A_195 = arith.constant 0 : i32
        %dma_start3A_196 = tpu.memref_slice %arg4[%add3A_121, %dma_start3A_195] : memref<102400x128xf32, #tpu.memory_space<hbm>> -> memref<128x128xf32, #tpu.memory_space<hbm>>
        %dma_start3A_197 = arith.constant 0 : i32
        %dma_start3A_198 = tpu.memref_slice %arg4[%add3A_121, %dma_start3A_197] : memref<102400x128xf32, #tpu.memory_space<hbm>> -> memref<128x128xf32, #tpu.memory_space<hbm>>
        tpu.enqueue_dma source(%arg7 : memref<128x128xf32, #tpu.memory_space<vmem>>) target(%dma_start3A_198 : memref<128x128xf32, #tpu.memory_space<hbm>>) target_semaphore(%run_scoped3A : memref<!tpu.dma_semaphore, #tpu.memory_space<semaphore_mem>>)
        %dma_wait3A_199 = arith.constant 0 : i32
        %dma_wait3A_200 = tpu.memref_slice %arg4[%add3A_121, %dma_wait3A_199] : memref<102400x128xf32, #tpu.memory_space<hbm>> -> memref<128x128xf32, #tpu.memory_space<hbm>>
        %dma_wait3A_201 = arith.constant 0 : i32
        %dma_wait3A_202 = tpu.memref_slice %arg4[%add3A_121, %dma_wait3A_201] : memref<102400x128xf32, #tpu.memory_space<hbm>> -> memref<128x128xf32, #tpu.memory_space<hbm>>
        tpu.wait_dma2 semaphore(%run_scoped3A : memref<!tpu.dma_semaphore, #tpu.memory_space<semaphore_mem>>) src(%arg7 : memref<128x128xf32, #tpu.memory_space<vmem>>) dst(%dma_wait3A_202 : memref<128x128xf32, #tpu.memory_space<hbm>>)
        tpu.yield
      }) : () -> ()
      %add3A_122 = arith.constant 1 : i32
      %add3A_123 = arith.addi %add3A_89, %add3A_122 : i32
      %add3A_124 = arith.constant 5 : i32
      %add3A_125 = arith.addi %add3A_123, %add3A_124 : i32
      %dma_start3A_126 = arith.constant 0 : i32
      %dma_start3A_127 = tpu.memref_slice %arg5[%add3A_125, %dma_start3A_126] : memref<25x128xi32, #tpu.memory_space<vmem>> -> memref<1x128xi32, #tpu.memory_space<vmem>>
      %dma_start3A_128 = tpu.memref_squeeze %dma_start3A_127 : memref<1x128xi32, #tpu.memory_space<vmem>> -> memref<128xi32, #tpu.memory_space<vmem>>
      %dma_start3A_129 = arith.constant 0 : i32
      %dma_start3A_130 = arith.constant 0 : i32
      %dma_start3A_131 = tpu.memref_slice %arg2[%dma_start3A_129, %dma_start3A_130] : memref<1000000x128xf32, #tpu.memory_space<hbm>> -> memref<1000000x128xf32, #tpu.memory_space<hbm>>
      tpu.enqueue_indirect_dma source(%dma_start3A_131 : memref<1000000x128xf32, #tpu.memory_space<hbm>>) target(%arg7 : memref<128x128xf32, #tpu.memory_space<vmem>>) offsets(%dma_start3A_128 : memref<128xi32, #tpu.memory_space<vmem>>) semaphore(%arg12 : memref<!tpu.dma_semaphore, #tpu.memory_space<semaphore_mem>>)
      %add3A_132 = arith.constant 2 : i32
      %add3A_133 = arith.addi %add3A_89, %add3A_132 : i32
      %dma_wait3A_134 = arith.constant 0 : i32
      %dma_wait3A_135 = tpu.memref_slice %arg5[%add3A_133, %dma_wait3A_134] : memref<25x128xi32, #tpu.memory_space<vmem>> -> memref<1x128xi32, #tpu.memory_space<vmem>>
      %dma_wait3A_136 = tpu.memref_squeeze %dma_wait3A_135 : memref<1x128xi32, #tpu.memory_space<vmem>> -> memref<128xi32, #tpu.memory_space<vmem>>
      %dma_wait3A_137 = arith.constant 0 : i32
      %dma_wait3A_138 = arith.constant 0 : i32
      %dma_wait3A_139 = tpu.memref_slice %arg2[%dma_wait3A_137, %dma_wait3A_138] : memref<1000000x128xf32, #tpu.memory_space<hbm>> -> memref<1000000x128xf32, #tpu.memory_space<hbm>>
      tpu.wait_indirect_dma semaphore(%arg13 : memref<!tpu.dma_semaphore, #tpu.memory_space<semaphore_mem>>) src(%dma_wait3A_139 : memref<1000000x128xf32, #tpu.memory_space<hbm>>) dst(%arg8 : memref<128x128xf32, #tpu.memory_space<vmem>>)
      %mul3A_140 = arith.constant 128 : i32
      %mul3A_141 = arith.muli %add3A_133, %mul3A_140 : i32
      %add3A_142 = arith.addi %mul3A_2, %mul3A_141 : i32
      "tpu.region"() ({
        %run_scoped3A = tpu.sem_alloc : memref<!tpu.dma_semaphore, #tpu.memory_space<semaphore_mem>>
        %dma_start3A_195 = arith.constant 0 : i32
        %dma_start3A_196 = tpu.memref_slice %arg4[%add3A_142, %dma_start3A_195] : memref<102400x128xf32, #tpu.memory_space<hbm>> -> memref<128x128xf32, #tpu.memory_space<hbm>>
        %dma_start3A_197 = arith.constant 0 : i32
        %dma_start3A_198 = tpu.memref_slice %arg4[%add3A_142, %dma_start3A_197] : memref<102400x128xf32, #tpu.memory_space<hbm>> -> memref<128x128xf32, #tpu.memory_space<hbm>>
        tpu.enqueue_dma source(%arg8 : memref<128x128xf32, #tpu.memory_space<vmem>>) target(%dma_start3A_198 : memref<128x128xf32, #tpu.memory_space<hbm>>) target_semaphore(%run_scoped3A : memref<!tpu.dma_semaphore, #tpu.memory_space<semaphore_mem>>)
        %dma_wait3A_199 = arith.constant 0 : i32
        %dma_wait3A_200 = tpu.memref_slice %arg4[%add3A_142, %dma_wait3A_199] : memref<102400x128xf32, #tpu.memory_space<hbm>> -> memref<128x128xf32, #tpu.memory_space<hbm>>
        %dma_wait3A_201 = arith.constant 0 : i32
        %dma_wait3A_202 = tpu.memref_slice %arg4[%add3A_142, %dma_wait3A_201] : memref<102400x128xf32, #tpu.memory_space<hbm>> -> memref<128x128xf32, #tpu.memory_space<hbm>>
        tpu.wait_dma2 semaphore(%run_scoped3A : memref<!tpu.dma_semaphore, #tpu.memory_space<semaphore_mem>>) src(%arg8 : memref<128x128xf32, #tpu.memory_space<vmem>>) dst(%dma_wait3A_202 : memref<128x128xf32, #tpu.memory_space<hbm>>)
        tpu.yield
      }) : () -> ()
      %add3A_143 = arith.constant 2 : i32
      %add3A_144 = arith.addi %add3A_89, %add3A_143 : i32
      %add3A_145 = arith.constant 5 : i32
      %add3A_146 = arith.addi %add3A_144, %add3A_145 : i32
      %dma_start3A_147 = arith.constant 0 : i32
      %dma_start3A_148 = tpu.memref_slice %arg5[%add3A_146, %dma_start3A_147] : memref<25x128xi32, #tpu.memory_space<vmem>> -> memref<1x128xi32, #tpu.memory_space<vmem>>
      %dma_start3A_149 = tpu.memref_squeeze %dma_start3A_148 : memref<1x128xi32, #tpu.memory_space<vmem>> -> memref<128xi32, #tpu.memory_space<vmem>>
      %dma_start3A_150 = arith.constant 0 : i32
      %dma_start3A_151 = arith.constant 0 : i32
      %dma_start3A_152 = tpu.memref_slice %arg2[%dma_start3A_150, %dma_start3A_151] : memref<1000000x128xf32, #tpu.memory_space<hbm>> -> memref<1000000x128xf32, #tpu.memory_space<hbm>>
      tpu.enqueue_indirect_dma source(%dma_start3A_152 : memref<1000000x128xf32, #tpu.memory_space<hbm>>) target(%arg8 : memref<128x128xf32, #tpu.memory_space<vmem>>) offsets(%dma_start3A_149 : memref<128xi32, #tpu.memory_space<vmem>>) semaphore(%arg13 : memref<!tpu.dma_semaphore, #tpu.memory_space<semaphore_mem>>)
      %add3A_153 = arith.constant 3 : i32
      %add3A_154 = arith.addi %add3A_89, %add3A_153 : i32
      %dma_wait3A_155 = arith.constant 0 : i32
      %dma_wait3A_156 = tpu.memref_slice %arg5[%add3A_154, %dma_wait3A_155] : memref<25x128xi32, #tpu.memory_space<vmem>> -> memref<1x128xi32, #tpu.memory_space<vmem>>
      %dma_wait3A_157 = tpu.memref_squeeze %dma_wait3A_156 : memref<1x128xi32, #tpu.memory_space<vmem>> -> memref<128xi32, #tpu.memory_space<vmem>>
      %dma_wait3A_158 = arith.constant 0 : i32
      %dma_wait3A_159 = arith.constant 0 : i32
      %dma_wait3A_160 = tpu.memref_slice %arg2[%dma_wait3A_158, %dma_wait3A_159] : memref<1000000x128xf32, #tpu.memory_space<hbm>> -> memref<1000000x128xf32, #tpu.memory_space<hbm>>
      tpu.wait_indirect_dma semaphore(%arg14 : memref<!tpu.dma_semaphore, #tpu.memory_space<semaphore_mem>>) src(%dma_wait3A_160 : memref<1000000x128xf32, #tpu.memory_space<hbm>>) dst(%arg9 : memref<128x128xf32, #tpu.memory_space<vmem>>)
      %mul3A_161 = arith.constant 128 : i32
      %mul3A_162 = arith.muli %add3A_154, %mul3A_161 : i32
      %add3A_163 = arith.addi %mul3A_2, %mul3A_162 : i32
      "tpu.region"() ({
        %run_scoped3A = tpu.sem_alloc : memref<!tpu.dma_semaphore, #tpu.memory_space<semaphore_mem>>
        %dma_start3A_195 = arith.constant 0 : i32
        %dma_start3A_196 = tpu.memref_slice %arg4[%add3A_163, %dma_start3A_195] : memref<102400x128xf32, #tpu.memory_space<hbm>> -> memref<128x128xf32, #tpu.memory_space<hbm>>
        %dma_start3A_197 = arith.constant 0 : i32
        %dma_start3A_198 = tpu.memref_slice %arg4[%add3A_163, %dma_start3A_197] : memref<102400x128xf32, #tpu.memory_space<hbm>> -> memref<128x128xf32, #tpu.memory_space<hbm>>
        tpu.enqueue_dma source(%arg9 : memref<128x128xf32, #tpu.memory_space<vmem>>) target(%dma_start3A_198 : memref<128x128xf32, #tpu.memory_space<hbm>>) target_semaphore(%run_scoped3A : memref<!tpu.dma_semaphore, #tpu.memory_space<semaphore_mem>>)
        %dma_wait3A_199 = arith.constant 0 : i32
        %dma_wait3A_200 = tpu.memref_slice %arg4[%add3A_163, %dma_wait3A_199] : memref<102400x128xf32, #tpu.memory_space<hbm>> -> memref<128x128xf32, #tpu.memory_space<hbm>>
        %dma_wait3A_201 = arith.constant 0 : i32
        %dma_wait3A_202 = tpu.memref_slice %arg4[%add3A_163, %dma_wait3A_201] : memref<102400x128xf32, #tpu.memory_space<hbm>> -> memref<128x128xf32, #tpu.memory_space<hbm>>
        tpu.wait_dma2 semaphore(%run_scoped3A : memref<!tpu.dma_semaphore, #tpu.memory_space<semaphore_mem>>) src(%arg9 : memref<128x128xf32, #tpu.memory_space<vmem>>) dst(%dma_wait3A_202 : memref<128x128xf32, #tpu.memory_space<hbm>>)
        tpu.yield
      }) : () -> ()
      %add3A_164 = arith.constant 3 : i32
      %add3A_165 = arith.addi %add3A_89, %add3A_164 : i32
      %add3A_166 = arith.constant 5 : i32
      %add3A_167 = arith.addi %add3A_165, %add3A_166 : i32
      %dma_start3A_168 = arith.constant 0 : i32
      %dma_start3A_169 = tpu.memref_slice %arg5[%add3A_167, %dma_start3A_168] : memref<25x128xi32, #tpu.memory_space<vmem>> -> memref<1x128xi32, #tpu.memory_space<vmem>>
      %dma_start3A_170 = tpu.memref_squeeze %dma_start3A_169 : memref<1x128xi32, #tpu.memory_space<vmem>> -> memref<128xi32, #tpu.memory_space<vmem>>
      %dma_start3A_171 = arith.constant 0 : i32
      %dma_start3A_172 = arith.constant 0 : i32
      %dma_start3A_173 = tpu.memref_slice %arg2[%dma_start3A_171, %dma_start3A_172] : memref<1000000x128xf32, #tpu.memory_space<hbm>> -> memref<1000000x128xf32, #tpu.memory_space<hbm>>
      tpu.enqueue_indirect_dma source(%dma_start3A_173 : memref<1000000x128xf32, #tpu.memory_space<hbm>>) target(%arg9 : memref<128x128xf32, #tpu.memory_space<vmem>>) offsets(%dma_start3A_170 : memref<128xi32, #tpu.memory_space<vmem>>) semaphore(%arg14 : memref<!tpu.dma_semaphore, #tpu.memory_space<semaphore_mem>>)
      %add3A_174 = arith.constant 4 : i32
      %add3A_175 = arith.addi %add3A_89, %add3A_174 : i32
      %dma_wait3A_176 = arith.constant 0 : i32
      %dma_wait3A_177 = tpu.memref_slice %arg5[%add3A_175, %dma_wait3A_176] : memref<25x128xi32, #tpu.memory_space<vmem>> -> memref<1x128xi32, #tpu.memory_space<vmem>>
      %dma_wait3A_178 = tpu.memref_squeeze %dma_wait3A_177 : memref<1x128xi32, #tpu.memory_space<vmem>> -> memref<128xi32, #tpu.memory_space<vmem>>
      %dma_wait3A_179 = arith.constant 0 : i32
      %dma_wait3A_180 = arith.constant 0 : i32
      %dma_wait3A_181 = tpu.memref_slice %arg2[%dma_wait3A_179, %dma_wait3A_180] : memref<1000000x128xf32, #tpu.memory_space<hbm>> -> memref<1000000x128xf32, #tpu.memory_space<hbm>>
      tpu.wait_indirect_dma semaphore(%arg15 : memref<!tpu.dma_semaphore, #tpu.memory_space<semaphore_mem>>) src(%dma_wait3A_181 : memref<1000000x128xf32, #tpu.memory_space<hbm>>) dst(%arg10 : memref<128x128xf32, #tpu.memory_space<vmem>>)
      %mul3A_182 = arith.constant 128 : i32
      %mul3A_183 = arith.muli %add3A_175, %mul3A_182 : i32
      %add3A_184 = arith.addi %mul3A_2, %mul3A_183 : i32
      "tpu.region"() ({
        %run_scoped3A = tpu.sem_alloc : memref<!tpu.dma_semaphore, #tpu.memory_space<semaphore_mem>>
        %dma_start3A_195 = arith.constant 0 : i32
        %dma_start3A_196 = tpu.memref_slice %arg4[%add3A_184, %dma_start3A_195] : memref<102400x128xf32, #tpu.memory_space<hbm>> -> memref<128x128xf32, #tpu.memory_space<hbm>>
        %dma_start3A_197 = arith.constant 0 : i32
        %dma_start3A_198 = tpu.memref_slice %arg4[%add3A_184, %dma_start3A_197] : memref<102400x128xf32, #tpu.memory_space<hbm>> -> memref<128x128xf32, #tpu.memory_space<hbm>>
        tpu.enqueue_dma source(%arg10 : memref<128x128xf32, #tpu.memory_space<vmem>>) target(%dma_start3A_198 : memref<128x128xf32, #tpu.memory_space<hbm>>) target_semaphore(%run_scoped3A : memref<!tpu.dma_semaphore, #tpu.memory_space<semaphore_mem>>)
        %dma_wait3A_199 = arith.constant 0 : i32
        %dma_wait3A_200 = tpu.memref_slice %arg4[%add3A_184, %dma_wait3A_199] : memref<102400x128xf32, #tpu.memory_space<hbm>> -> memref<128x128xf32, #tpu.memory_space<hbm>>
        %dma_wait3A_201 = arith.constant 0 : i32
        %dma_wait3A_202 = tpu.memref_slice %arg4[%add3A_184, %dma_wait3A_201] : memref<102400x128xf32, #tpu.memory_space<hbm>> -> memref<128x128xf32, #tpu.memory_space<hbm>>
        tpu.wait_dma2 semaphore(%run_scoped3A : memref<!tpu.dma_semaphore, #tpu.memory_space<semaphore_mem>>) src(%arg10 : memref<128x128xf32, #tpu.memory_space<vmem>>) dst(%dma_wait3A_202 : memref<128x128xf32, #tpu.memory_space<hbm>>)
        tpu.yield
      }) : () -> ()
      %add3A_185 = arith.constant 4 : i32
      %add3A_186 = arith.addi %add3A_89, %add3A_185 : i32
      %add3A_187 = arith.constant 5 : i32
      %add3A_188 = arith.addi %add3A_186, %add3A_187 : i32
      %dma_start3A_189 = arith.constant 0 : i32
      %dma_start3A_190 = tpu.memref_slice %arg5[%add3A_188, %dma_start3A_189] : memref<25x128xi32, #tpu.memory_space<vmem>> -> memref<1x128xi32, #tpu.memory_space<vmem>>
      %dma_start3A_191 = tpu.memref_squeeze %dma_start3A_190 : memref<1x128xi32, #tpu.memory_space<vmem>> -> memref<128xi32, #tpu.memory_space<vmem>>
      %dma_start3A_192 = arith.constant 0 : i32
      %dma_start3A_193 = arith.constant 0 : i32
      %dma_start3A_194 = tpu.memref_slice %arg2[%dma_start3A_192, %dma_start3A_193] : memref<1000000x128xf32, #tpu.memory_space<hbm>> -> memref<1000000x128xf32, #tpu.memory_space<hbm>>
      tpu.enqueue_indirect_dma source(%dma_start3A_194 : memref<1000000x128xf32, #tpu.memory_space<hbm>>) target(%arg10 : memref<128x128xf32, #tpu.memory_space<vmem>>) offsets(%dma_start3A_191 : memref<128xi32, #tpu.memory_space<vmem>>) semaphore(%arg15 : memref<!tpu.dma_semaphore, #tpu.memory_space<semaphore_mem>>)
    }
    %scan3A_40 = arith.constant 4 : i32
    %dma_wait3A = arith.constant 20 : i32
    %dma_wait3A_41 = arith.constant 0 : i32
    %dma_wait3A_42 = tpu.memref_slice %arg5[%dma_wait3A, %dma_wait3A_41] : memref<25x128xi32, #tpu.memory_space<vmem>> -> memref<1x128xi32, #tpu.memory_space<vmem>>
    %dma_wait3A_43 = tpu.memref_squeeze %dma_wait3A_42 : memref<1x128xi32, #tpu.memory_space<vmem>> -> memref<128xi32, #tpu.memory_space<vmem>>
    %dma_wait3A_44 = arith.constant 0 : i32
    %dma_wait3A_45 = arith.constant 0 : i32
    %dma_wait3A_46 = tpu.memref_slice %arg2[%dma_wait3A_44, %dma_wait3A_45] : memref<1000000x128xf32, #tpu.memory_space<hbm>> -> memref<1000000x128xf32, #tpu.memory_space<hbm>>
    tpu.wait_indirect_dma semaphore(%arg11 : memref<!tpu.dma_semaphore, #tpu.memory_space<semaphore_mem>>) src(%dma_wait3A_46 : memref<1000000x128xf32, #tpu.memory_space<hbm>>) dst(%arg6 : memref<128x128xf32, #tpu.memory_space<vmem>>)
    %add3A_47 = arith.constant 2560 : i32
    %add3A_48 = arith.addi %mul3A_2, %add3A_47 : i32
    "tpu.region"() ({
      %run_scoped3A = tpu.sem_alloc : memref<!tpu.dma_semaphore, #tpu.memory_space<semaphore_mem>>
      %dma_start3A_85 = arith.constant 0 : i32
      %dma_start3A_86 = tpu.memref_slice %arg4[%add3A_48, %dma_start3A_85] : memref<102400x128xf32, #tpu.memory_space<hbm>> -> memref<128x128xf32, #tpu.memory_space<hbm>>
      %dma_start3A_87 = arith.constant 0 : i32
      %dma_start3A_88 = tpu.memref_slice %arg4[%add3A_48, %dma_start3A_87] : memref<102400x128xf32, #tpu.memory_space<hbm>> -> memref<128x128xf32, #tpu.memory_space<hbm>>
      tpu.enqueue_dma source(%arg6 : memref<128x128xf32, #tpu.memory_space<vmem>>) target(%dma_start3A_88 : memref<128x128xf32, #tpu.memory_space<hbm>>) target_semaphore(%run_scoped3A : memref<!tpu.dma_semaphore, #tpu.memory_space<semaphore_mem>>)
      %dma_wait3A_89 = arith.constant 0 : i32
      %dma_wait3A_90 = tpu.memref_slice %arg4[%add3A_48, %dma_wait3A_89] : memref<102400x128xf32, #tpu.memory_space<hbm>> -> memref<128x128xf32, #tpu.memory_space<hbm>>
      %dma_wait3A_91 = arith.constant 0 : i32
      %dma_wait3A_92 = tpu.memref_slice %arg4[%add3A_48, %dma_wait3A_91] : memref<102400x128xf32, #tpu.memory_space<hbm>> -> memref<128x128xf32, #tpu.memory_space<hbm>>
      tpu.wait_dma2 semaphore(%run_scoped3A : memref<!tpu.dma_semaphore, #tpu.memory_space<semaphore_mem>>) src(%arg6 : memref<128x128xf32, #tpu.memory_space<vmem>>) dst(%dma_wait3A_92 : memref<128x128xf32, #tpu.memory_space<hbm>>)
      tpu.yield
    }) : () -> ()
    %dma_wait3A_49 = arith.constant 21 : i32
    %dma_wait3A_50 = arith.constant 0 : i32
    %dma_wait3A_51 = tpu.memref_slice %arg5[%dma_wait3A_49, %dma_wait3A_50] : memref<25x128xi32, #tpu.memory_space<vmem>> -> memref<1x128xi32, #tpu.memory_space<vmem>>
    %dma_wait3A_52 = tpu.memref_squeeze %dma_wait3A_51 : memref<1x128xi32, #tpu.memory_space<vmem>> -> memref<128xi32, #tpu.memory_space<vmem>>
    %dma_wait3A_53 = arith.constant 0 : i32
    %dma_wait3A_54 = arith.constant 0 : i32
    %dma_wait3A_55 = tpu.memref_slice %arg2[%dma_wait3A_53, %dma_wait3A_54] : memref<1000000x128xf32, #tpu.memory_space<hbm>> -> memref<1000000x128xf32, #tpu.memory_space<hbm>>
    tpu.wait_indirect_dma semaphore(%arg12 : memref<!tpu.dma_semaphore, #tpu.memory_space<semaphore_mem>>) src(%dma_wait3A_55 : memref<1000000x128xf32, #tpu.memory_space<hbm>>) dst(%arg7 : memref<128x128xf32, #tpu.memory_space<vmem>>)
    %add3A_56 = arith.constant 2688 : i32
    %add3A_57 = arith.addi %mul3A_2, %add3A_56 : i32
    "tpu.region"() ({
      %run_scoped3A = tpu.sem_alloc : memref<!tpu.dma_semaphore, #tpu.memory_space<semaphore_mem>>
      %dma_start3A_85 = arith.constant 0 : i32
      %dma_start3A_86 = tpu.memref_slice %arg4[%add3A_57, %dma_start3A_85] : memref<102400x128xf32, #tpu.memory_space<hbm>> -> memref<128x128xf32, #tpu.memory_space<hbm>>
      %dma_start3A_87 = arith.constant 0 : i32
      %dma_start3A_88 = tpu.memref_slice %arg4[%add3A_57, %dma_start3A_87] : memref<102400x128xf32, #tpu.memory_space<hbm>> -> memref<128x128xf32, #tpu.memory_space<hbm>>
      tpu.enqueue_dma source(%arg7 : memref<128x128xf32, #tpu.memory_space<vmem>>) target(%dma_start3A_88 : memref<128x128xf32, #tpu.memory_space<hbm>>) target_semaphore(%run_scoped3A : memref<!tpu.dma_semaphore, #tpu.memory_space<semaphore_mem>>)
      %dma_wait3A_89 = arith.constant 0 : i32
      %dma_wait3A_90 = tpu.memref_slice %arg4[%add3A_57, %dma_wait3A_89] : memref<102400x128xf32, #tpu.memory_space<hbm>> -> memref<128x128xf32, #tpu.memory_space<hbm>>
      %dma_wait3A_91 = arith.constant 0 : i32
      %dma_wait3A_92 = tpu.memref_slice %arg4[%add3A_57, %dma_wait3A_91] : memref<102400x128xf32, #tpu.memory_space<hbm>> -> memref<128x128xf32, #tpu.memory_space<hbm>>
      tpu.wait_dma2 semaphore(%run_scoped3A : memref<!tpu.dma_semaphore, #tpu.memory_space<semaphore_mem>>) src(%arg7 : memref<128x128xf32, #tpu.memory_space<vmem>>) dst(%dma_wait3A_92 : memref<128x128xf32, #tpu.memory_space<hbm>>)
      tpu.yield
    }) : () -> ()
    %dma_wait3A_58 = arith.constant 22 : i32
    %dma_wait3A_59 = arith.constant 0 : i32
    %dma_wait3A_60 = tpu.memref_slice %arg5[%dma_wait3A_58, %dma_wait3A_59] : memref<25x128xi32, #tpu.memory_space<vmem>> -> memref<1x128xi32, #tpu.memory_space<vmem>>
    %dma_wait3A_61 = tpu.memref_squeeze %dma_wait3A_60 : memref<1x128xi32, #tpu.memory_space<vmem>> -> memref<128xi32, #tpu.memory_space<vmem>>
    %dma_wait3A_62 = arith.constant 0 : i32
    %dma_wait3A_63 = arith.constant 0 : i32
    %dma_wait3A_64 = tpu.memref_slice %arg2[%dma_wait3A_62, %dma_wait3A_63] : memref<1000000x128xf32, #tpu.memory_space<hbm>> -> memref<1000000x128xf32, #tpu.memory_space<hbm>>
    tpu.wait_indirect_dma semaphore(%arg13 : memref<!tpu.dma_semaphore, #tpu.memory_space<semaphore_mem>>) src(%dma_wait3A_64 : memref<1000000x128xf32, #tpu.memory_space<hbm>>) dst(%arg8 : memref<128x128xf32, #tpu.memory_space<vmem>>)
    %add3A_65 = arith.constant 2816 : i32
    %add3A_66 = arith.addi %mul3A_2, %add3A_65 : i32
    "tpu.region"() ({
      %run_scoped3A = tpu.sem_alloc : memref<!tpu.dma_semaphore, #tpu.memory_space<semaphore_mem>>
      %dma_start3A_85 = arith.constant 0 : i32
      %dma_start3A_86 = tpu.memref_slice %arg4[%add3A_66, %dma_start3A_85] : memref<102400x128xf32, #tpu.memory_space<hbm>> -> memref<128x128xf32, #tpu.memory_space<hbm>>
      %dma_start3A_87 = arith.constant 0 : i32
      %dma_start3A_88 = tpu.memref_slice %arg4[%add3A_66, %dma_start3A_87] : memref<102400x128xf32, #tpu.memory_space<hbm>> -> memref<128x128xf32, #tpu.memory_space<hbm>>
      tpu.enqueue_dma source(%arg8 : memref<128x128xf32, #tpu.memory_space<vmem>>) target(%dma_start3A_88 : memref<128x128xf32, #tpu.memory_space<hbm>>) target_semaphore(%run_scoped3A : memref<!tpu.dma_semaphore, #tpu.memory_space<semaphore_mem>>)
      %dma_wait3A_89 = arith.constant 0 : i32
      %dma_wait3A_90 = tpu.memref_slice %arg4[%add3A_66, %dma_wait3A_89] : memref<102400x128xf32, #tpu.memory_space<hbm>> -> memref<128x128xf32, #tpu.memory_space<hbm>>
      %dma_wait3A_91 = arith.constant 0 : i32
      %dma_wait3A_92 = tpu.memref_slice %arg4[%add3A_66, %dma_wait3A_91] : memref<102400x128xf32, #tpu.memory_space<hbm>> -> memref<128x128xf32, #tpu.memory_space<hbm>>
      tpu.wait_dma2 semaphore(%run_scoped3A : memref<!tpu.dma_semaphore, #tpu.memory_space<semaphore_mem>>) src(%arg8 : memref<128x128xf32, #tpu.memory_space<vmem>>) dst(%dma_wait3A_92 : memref<128x128xf32, #tpu.memory_space<hbm>>)
      tpu.yield
    }) : () -> ()
    %dma_wait3A_67 = arith.constant 23 : i32
    %dma_wait3A_68 = arith.constant 0 : i32
    %dma_wait3A_69 = tpu.memref_slice %arg5[%dma_wait3A_67, %dma_wait3A_68] : memref<25x128xi32, #tpu.memory_space<vmem>> -> memref<1x128xi32, #tpu.memory_space<vmem>>
    %dma_wait3A_70 = tpu.memref_squeeze %dma_wait3A_69 : memref<1x128xi32, #tpu.memory_space<vmem>> -> memref<128xi32, #tpu.memory_space<vmem>>
    %dma_wait3A_71 = arith.constant 0 : i32
    %dma_wait3A_72 = arith.constant 0 : i32
    %dma_wait3A_73 = tpu.memref_slice %arg2[%dma_wait3A_71, %dma_wait3A_72] : memref<1000000x128xf32, #tpu.memory_space<hbm>> -> memref<1000000x128xf32, #tpu.memory_space<hbm>>
    tpu.wait_indirect_dma semaphore(%arg14 : memref<!tpu.dma_semaphore, #tpu.memory_space<semaphore_mem>>) src(%dma_wait3A_73 : memref<1000000x128xf32, #tpu.memory_space<hbm>>) dst(%arg9 : memref<128x128xf32, #tpu.memory_space<vmem>>)
    %add3A_74 = arith.constant 2944 : i32
    %add3A_75 = arith.addi %mul3A_2, %add3A_74 : i32
    "tpu.region"() ({
      %run_scoped3A = tpu.sem_alloc : memref<!tpu.dma_semaphore, #tpu.memory_space<semaphore_mem>>
      %dma_start3A_85 = arith.constant 0 : i32
      %dma_start3A_86 = tpu.memref_slice %arg4[%add3A_75, %dma_start3A_85] : memref<102400x128xf32, #tpu.memory_space<hbm>> -> memref<128x128xf32, #tpu.memory_space<hbm>>
      %dma_start3A_87 = arith.constant 0 : i32
      %dma_start3A_88 = tpu.memref_slice %arg4[%add3A_75, %dma_start3A_87] : memref<102400x128xf32, #tpu.memory_space<hbm>> -> memref<128x128xf32, #tpu.memory_space<hbm>>
      tpu.enqueue_dma source(%arg9 : memref<128x128xf32, #tpu.memory_space<vmem>>) target(%dma_start3A_88 : memref<128x128xf32, #tpu.memory_space<hbm>>) target_semaphore(%run_scoped3A : memref<!tpu.dma_semaphore, #tpu.memory_space<semaphore_mem>>)
      %dma_wait3A_89 = arith.constant 0 : i32
      %dma_wait3A_90 = tpu.memref_slice %arg4[%add3A_75, %dma_wait3A_89] : memref<102400x128xf32, #tpu.memory_space<hbm>> -> memref<128x128xf32, #tpu.memory_space<hbm>>
      %dma_wait3A_91 = arith.constant 0 : i32
      %dma_wait3A_92 = tpu.memref_slice %arg4[%add3A_75, %dma_wait3A_91] : memref<102400x128xf32, #tpu.memory_space<hbm>> -> memref<128x128xf32, #tpu.memory_space<hbm>>
      tpu.wait_dma2 semaphore(%run_scoped3A : memref<!tpu.dma_semaphore, #tpu.memory_space<semaphore_mem>>) src(%arg9 : memref<128x128xf32, #tpu.memory_space<vmem>>) dst(%dma_wait3A_92 : memref<128x128xf32, #tpu.memory_space<hbm>>)
      tpu.yield
    }) : () -> ()
    %dma_wait3A_76 = arith.constant 24 : i32
    %dma_wait3A_77 = arith.constant 0 : i32
    %dma_wait3A_78 = tpu.memref_slice %arg5[%dma_wait3A_76, %dma_wait3A_77] : memref<25x128xi32, #tpu.memory_space<vmem>> -> memref<1x128xi32, #tpu.memory_space<vmem>>
    %dma_wait3A_79 = tpu.memref_squeeze %dma_wait3A_78 : memref<1x128xi32, #tpu.memory_space<vmem>> -> memref<128xi32, #tpu.memory_space<vmem>>
    %dma_wait3A_80 = arith.constant 0 : i32
    %dma_wait3A_81 = arith.constant 0 : i32
    %dma_wait3A_82 = tpu.memref_slice %arg2[%dma_wait3A_80, %dma_wait3A_81] : memref<1000000x128xf32, #tpu.memory_space<hbm>> -> memref<1000000x128xf32, #tpu.memory_space<hbm>>
    tpu.wait_indirect_dma semaphore(%arg15 : memref<!tpu.dma_semaphore, #tpu.memory_space<semaphore_mem>>) src(%dma_wait3A_82 : memref<1000000x128xf32, #tpu.memory_space<hbm>>) dst(%arg10 : memref<128x128xf32, #tpu.memory_space<vmem>>)
    %add3A_83 = arith.constant 3072 : i32
    %add3A_84 = arith.addi %mul3A_2, %add3A_83 : i32
    "tpu.region"() ({
      %run_scoped3A = tpu.sem_alloc : memref<!tpu.dma_semaphore, #tpu.memory_space<semaphore_mem>>
      %dma_start3A_85 = arith.constant 0 : i32
      %dma_start3A_86 = tpu.memref_slice %arg4[%add3A_84, %dma_start3A_85] : memref<102400x128xf32, #tpu.memory_space<hbm>> -> memref<128x128xf32, #tpu.memory_space<hbm>>
      %dma_start3A_87 = arith.constant 0 : i32
      %dma_start3A_88 = tpu.memref_slice %arg4[%add3A_84, %dma_start3A_87] : memref<102400x128xf32, #tpu.memory_space<hbm>> -> memref<128x128xf32, #tpu.memory_space<hbm>>
      tpu.enqueue_dma source(%arg10 : memref<128x128xf32, #tpu.memory_space<vmem>>) target(%dma_start3A_88 : memref<128x128xf32, #tpu.memory_space<hbm>>) target_semaphore(%run_scoped3A : memref<!tpu.dma_semaphore, #tpu.memory_space<semaphore_mem>>)
      %dma_wait3A_89 = arith.constant 0 : i32
      %dma_wait3A_90 = tpu.memref_slice %arg4[%add3A_84, %dma_wait3A_89] : memref<102400x128xf32, #tpu.memory_space<hbm>> -> memref<128x128xf32, #tpu.memory_space<hbm>>
      %dma_wait3A_91 = arith.constant 0 : i32
      %dma_wait3A_92 = tpu.memref_slice %arg4[%add3A_84, %dma_wait3A_91] : memref<102400x128xf32, #tpu.memory_space<hbm>> -> memref<128x128xf32, #tpu.memory_space<hbm>>
      tpu.wait_dma2 semaphore(%run_scoped3A : memref<!tpu.dma_semaphore, #tpu.memory_space<semaphore_mem>>) src(%arg10 : memref<128x128xf32, #tpu.memory_space<vmem>>) dst(%dma_wait3A_92 : memref<128x128xf32, #tpu.memory_space<hbm>>)
      tpu.yield
    }) : () -> ()
    return
  }
}

</mosaic_0001>

<sc_bundles>
// kernel: _sc_gather.3.cloned.1.call-start
scs
__scs_entry_jumppad:
0x0: {  	(pc) =	sbr.rel $0x88, $3  }
0x1: {  	(tag) =	ssettag $0x0;
	lr =	simm.s32 $0x1  }
0x2: {  	[smem:$0x3F9F] =	sst lr;
	_ =	strace $0xD0000000  }
0x3: {  	_ = 	snop  }
0x4: {  	_ = 	snop  }
0x5: {  	_ = 	snop  }
0x6: {  	_ = 	snop  }
0x7: {  	_ = 	snop  }
__scs_overlays_trampoline_lowered:
0x8: {  	[smem:$0x3FAE] =	sst s0  }
0x9: {  	[smem:$0x3FAF] =	sst s1  }
0xa: {  	[smem:$0x3FB0] =	sst s2  }
0xb: {  	[smem:$0x3FB1] =	sst s3  }
0xc: {  	[smem:$0x3FB2] =	sst s4  }
0xd: {  	[smem:$0x3FB3] =	sst s5  }
0xe: {  	[smem:$0x3FB4] =	sst s6  }
0xf: {  	[smem:$0x3FB5] =	sst s7  }
0x10: {  	[smem:$0x3FB6] =	sst s8  }
0x11: {  	[smem:$0x3FB7] =	sst s9;
	s0 =	simm.s32 @!p0 $0x0  }
0x12: {  	s1 =	sld [smem:$0x3F9D];
	s0 =	simm.s32 @p0 $0x1  }
0x13: {  	[smem:$0x3FB8] =	sst s0;
	s0 =	simm.s32 @!p1 $0x0  }
0x14: {  	s2 =	sld [smem:$0x3F9C];
	s0 =	simm.s32 @p1 $0x1  }
0x15: {  	[smem:$0x3FB9] =	sst s0;
	s0 =	simm.s32 @!p2 $0x0  }
0x16: {  	s3 =	sld [smem:$0x3FDB];
	s0 =	simm.s32 @p2 $0x1  }
0x17: {  	s4 =	simm.s32 $0x1BF5;
	[smem:$0x3FBB] =	sst s0  }
0x18: {  	s0 =	sld [smem:$0x3F9E];
	_ =	swait.ge [sflag:s4], $0x0  }
0x19: {  	s7 =	sld [smem:$0x3F9F]  }
0x1a: {  	s8 =	sadd.s32 $0xFFFFE003, lr  }
0x1b: {  	s9 =	sadd.s32 $0xFFFFFEF7, lr;
	s5 =	simm.s32 $0xFFFFFFFF;
	p2 =	slt.u32 s8, $0xFFFFF086  }
0x1c: {  	p1 =	slt.u32 s9, $0xF7A;
	s5 =	simm.s32 @!p2 $0x0  }
0x1d: {  	s5 =	simm.s32 @p1 $0x1;
	p0 =	seq.s32 s7, s2  }
0x1e: {  	s7 =	smul.u32 @!p0 $0xF7A, s2;
	p2 =	seq.s32 @!p0 s5, $0x0  }
0x1f: {  	s9 =	smul.u32 $0xF7A, s1;
	s8 =	simm.s32 @!p0 $0x1BF5;
	p2 =	por !p2, p0  }
0x20: {  	[sflag:s8] =	ssyncset.s32 @!p0 $0xFFFFF086;
	s6 =	sadd.s32 @!p0 s3, s7;
	s7 =	simm.s32 @!p0 $0x108  }
0x21: {  	s3 =	sadd.s32 s3, s9;
	s6 =	sadd.s32 @!p0 $0x88, s6;
	s7 =	simm.s32 @p2 $0x1082  }
0x22: {  	[simem:s7], [sflag:s8] =	dma.local @!p0 [hbm:s6], $0xF7A  }
0x23: {  	s9 =	sor.u32 $0xD0000000, s2;
	s6 =	simm.s32 $0x108;
	_ =	swait.ge @!p0 [sflag:s8], $0x0  }
0x24: {  	s3 =	sadd.s32 $0x88, s3;
	s6 =	simm.s32 @!p1 $0x1082;
	[sflag:s4] =	ssyncset.s32 $0xFFFFF086  }
0x25: {  	[simem:s6], [sflag:s4] =	dma.local [hbm:s3], $0xF7A  }
0x26: {  	[smem:$0x3F9F] =	sst s1;
	(tag) =	ssettag s2;
	_ =	strace s9  }
0x27: {  	s1 =	sld [smem:$0x3FAF]  }
0x28: {  	s2 =	sld [smem:$0x3FB0]  }
0x29: {  	s4 =	sld [smem:$0x3FB2]  }
0x2a: {  	p0 =	seq.s32 s5, $0x0;
	s5 =	sld [smem:$0x3FB3]  }
0x2b: {  	s6 =	sld [smem:$0x3FB4]  }
0x2c: {  	s7 =	sld [smem:$0x3FB5]  }
0x2d: {  	s3 =	simm.s32 $0x108;
	s8 =	sld [smem:$0x3FB6]  }
0x2e: {  	s3 =	simm.s32 @!p0 $0x1082;
	s9 =	sld [smem:$0x3FB7]  }
0x2f: {  	lr =	sadd.s32 s0, s3;
	s0 =	sld [smem:$0x3FAE]  }
0x30: {  	s3 =	sld [smem:$0x3FB1]  }
0x31: {  	[smem:$0x3FBA] =	sst s10  }
0x32: {  	s10 =	sld [smem:$0x3FB8];
	_ =	sdelay $0x3  }
0x33: {  	p0 =	seq.s32 s10, $0x1;
	s10 =	sld [smem:$0x3FBA];
	_ =	sdelay $0x3  }
0x34: {  	[smem:$0x3FBA] =	sst s10  }
0x35: {  	s10 =	sld [smem:$0x3FB9];
	_ =	sdelay $0x3  }
0x36: {  	p1 =	seq.s32 s10, $0x1;
	s10 =	sld [smem:$0x3FBA];
	_ =	sdelay $0x3  }
0x37: {  	[smem:$0x3FBA] =	sst s10  }
0x38: {  	s10 =	sld [smem:$0x3FBB]  }
0x39: {  	_ = 	snop;
	(pc) =	sbr.ind lr, $3  }
0x3a: {  	_ = 	snop  }
0x3b: {  	_ = 	snop  }
0x3c: {  	p2 =	seq.s32 s10, $0x1;
	s10 =	sld [smem:$0x3FBA]  }
0x3d: {  	_ =	shalt  }
0x3e: {  	_ =	shalt  }
0x3f: {  	_ =	shalt  }
0x40: {  	_ =	shalt  }
0x41: {  	_ =	shalt  }
0x42: {  	_ =	shalt  }
0x43: {  	_ =	shalt  }
0x44: {  	_ =	shalt  }
0x45: {  	_ =	shalt  }
0x46: {  	_ =	shalt  }
0x47: {  	_ =	shalt  }
0x48: {  	_ =	shalt  }
0x49: {  	_ =	shalt  }
0x4a: {  	_ =	shalt  }
0x4b: {  	_ =	shalt  }
0x4c: {  	_ =	shalt  }
0x4d: {  	_ =	shalt  }
0x4e: {  	_ =	shalt  }
0x4f: {  	_ =	shalt  }
0x50: {  	_ =	shalt  }
0x51: {  	_ =	shalt  }
0x52: {  	_ =	shalt  }
0x53: {  	_ =	shalt  }
0x54: {  	_ =	shalt  }
0x55: {  	_ =	shalt  }
0x56: {  	_ =	shalt  }
0x57: {  	_ =	shalt  }
0x58: {  	_ =	shalt  }
0x59: {  	_ =	shalt  }
0x5a: {  	_ =	shalt  }
0x5b: {  	_ =	shalt  }
0x5c: {  	_ =	shalt  }
0x5d: {  	_ =	shalt  }
0x5e: {  	_ =	shalt  }
0x5f: {  	_ =	shalt  }
0x60: {  	_ =	shalt  }
0x61: {  	_ =	shalt  }
0x62: {  	_ =	shalt  }
0x63: {  	_ =	shalt  }
0x64: {  	_ =	shalt  }
0x65: {  	_ =	shalt  }
0x66: {  	_ =	shalt  }
0x67: {  	_ =	shalt  }
0x68: {  	_ =	shalt  }
0x69: {  	_ =	shalt  }
0x6a: {  	_ =	shalt  }
0x6b: {  	_ =	shalt  }
0x6c: {  	_ =	shalt  }
0x6d: {  	_ =	shalt  }
0x6e: {  	_ =	shalt  }
0x6f: {  	_ =	shalt  }
0x70: {  	_ =	shalt  }
0x71: {  	_ =	shalt  }
0x72: {  	_ =	shalt  }
0x73: {  	_ =	shalt  }
0x74: {  	_ =	shalt  }
0x75: {  	_ =	shalt  }
0x76: {  	_ =	shalt  }
0x77: {  	_ =	shalt  }
0x78: {  	_ =	shalt  }
0x79: {  	_ =	shalt  }
0x7a: {  	_ =	shalt  }
0x7b: {  	_ =	shalt  }
0x7c: {  	_ =	shalt  }
0x7d: {  	_ =	shalt  }
0x7e: {  	_ =	shalt  }
0x7f: {  	_ =	shalt  }
0x80: {  	_ =	shalt  }
0x81: {  	_ =	shalt  }
0x82: {  	_ =	shalt  }
0x83: {  	_ =	shalt  }
0x84: {  	_ =	shalt  }
0x85: {  	_ =	shalt  }
0x86: {  	_ =	shalt  }
0x87: {  	_ =	shalt  }
.Lfunc_end0:
.L_simem_size_0:
called_computation_lowered:
.L_overlay_start_0:
0x88: {  	s2 =	sld [smem:$0x3FD9]  }
0x89: {  	s3 =	sld [smem:$0x3FFE];
	_ =	sdelay $0x1  }
0x8a: {  	s1 =	srdreg.scid  }
0x8b: {  	s0 =	sand.u32 $0x1, s1  }
0x8c: {  	s17 =	sshll.u32 s0, $0xA;
	s2 =	sadd.s32 s3, s2  }
0x8d: {  	s2 =	sadd.s32 s2, s17  }
0x8e: {  	[smem:$0x3FC6] =	sst s2  }
0x8f: {  	_ = 	snop  }
0x90: {  	s2 =	sld [smem:$0x3FC9]  }
0x91: {  	s18 =	sld [smem:$0x3FD0];
	(tm) =	ssettm $0x1  }
0x92: {  	s4 =	sld [smem:$0x3FFB];
	_ =	sdelay $0x3  }
0x93: {  	_ =	strace s4  }
0x94: {  	s4 =	sld [smem:$0x3FFC];
	_ =	sdelay $0x3  }
0x95: {  	_ =	strace s4  }
0x96: {  	s4 =	sld [smem:$0x3FFD];
	_ =	sdelay $0x3  }
0x97: {  	_ =	strace s4  }
0x98: {  	_ =	strace $0x8FFFFFFF  }
0x99: {  	s19 =	sld [smem:$0x3FDB];
	_ =	sdelay $0x1  }
0x9a: {  	s5 =	simm.s32 $_scs_section_size  }
0x9b: {  	s6 =	simm.s32 $_size__tile_overlayer_lowered;
	s7 =	simm.s32 $_tile_overlayer_lowered  }
0x9c: {  	s22 =	simm.s32 $0x1BFF;
	s21 =	sshll.u32 s7, $0x1;
	s4 =	sadd.s32 s5, s19  }
0x9d: {  	s8 =	simm.s32 $0x0;
	s20 =	sshll.u32 s6, $0x1;
	s6 =	sadd.s32 s21, s4  }
0x9e: {  	[timem:s8], [sflag:s22] =	dma.local [hbm:s6], s20  }
0x9f: {  	_ =	swait.ge [sflag:s22], s20  }
0xa0: {  	s5 =	ssub.s32 $0x0, s20;
	[sflag:s22] =	ssyncset.done $0x0  }
0xa1: {  	[sflag:s22] =	ssyncadd.s32 s5;
	_ =	sdelay $0x1  }
0xa2: {  	s23 =	simm.s32 $0x1B8B  }
0xa3: {  	_ =	swait.ge [sflag:s23], $0x1  }
0xa4: {  	[sflag:s23] =	ssyncset.done $0x0  }
0xa5: {  	s25 =	simm.s32 $0x1B8E;
	s24 =	sld [smem:$0x3FFE];
	[sflag:s23] =	ssyncadd.s32 $0xFFFFFFFF  }
0xa6: {  	s26 =	simm.s32 $execute0_lowered;
	[smem:$0x3FD2] =	sst s25  }
0xa7: {  	s6 =	sshll.u32 s26, $0x1;
	_ =	strace $0x80000046;
	[dreg:$0x1] =	wrdreg $0xFFFFFFFF  }
0xa8: {  	s28 =	simm.s32 $_size_execute0_lowered;
	s4 =	sadd.s32 s4, s6;
	[dreg:$0x0] =	wrdreg $0x0  }
0xa9: {  	s6 =	sshll.u32 s28, $0x1;
	[dreg:$0x2] =	wrdreg s4  }
0xaa: {  	[dreg:$0x3] =	wrdreg s6  }
0xab: {  	[dreg:$0x4] =	wrdreg $0xC0  }
0xac: {  	_ =	task [dreg:s8], $0x5FFFF  }
0xad: {  	[dreg:$0x1] =	wrdreg $0xFFFFFFFF  }
0xae: {  	[dreg:$0x0] =	wrdreg $0x60  }
0xaf: {  	[dreg:$0x2] =	wrdreg s2  }
0xb0: {  	[dreg:$0x3] =	wrdreg s24  }
0xb1: {  	[dreg:$0x4] =	wrdreg s18  }
0xb2: {  	[dreg:$0x5] =	wrdreg $0x9  }
0xb3: {  	_ =	task.clear_ibuf [dreg:s8], $0x6FFFF;
	_ =	strace $0x90000046  }
0xb4: {  	s29 =	simm.s32 $0x9;
	_ =	strace $0x80000048  }
0xb5: {  	_ =	swait.ge [sflag:s29], $0x1  }
0xb6: {  	[sflag:s29] =	ssyncadd.s32 $0xFFFFFFFF  }
0xb7: {  	_ =	strace $0x90000048  }
0xb8: {  	_ =	sfence  }
0xb9: {  	s30 =	sld [smem:$0x0];
	_ =	sdelay $0x2  }
0xba: {  	s31 =	sshll.u32 s1, $0xD;
	s1 =	sshrl.u32 s1, $0x2  }
0xbb: {  	s3 =	sand.u32 $0x4000, s31;
	s1 =	sadd.s32 s1, s30  }
0xbc: {  	s0 =	sor.u32 s3, s0;
	s1 =	sshll.u32 s1, $0x11  }
0xbd: {  	s0 =	sor.u32 s1, s0  }
0xbe: {  	s0 =	sadd.s32 $0x8F2B, s0  }
0xbf: {  	[sflag:s0] =	ssyncadd.remote.s32 $0x1  }
0xc0: {  	_ =	sfence.sel $0xFFFF  }
0xc1: {  	[dreg:$0x0] =	wrdreg $0xFFFFFFFF;
	(pc) =	sbr.abs _section_cstart, $3  }
0xc2: {  	[dreg:$0x1] =	wrdreg $0xFFFFFFFF  }
0xc3: {  	_ =	task.clear_ibuf [dreg:s8], $0x2FFFF;
	_ =	strace $0x9FFFFFFF  }
0xc4: {  	(tm) =	ssettm $0x7FFFFFFF  }
0xc5: {  	_ =	shalt  }
tec
execute0_lowered:
.L_overlay_start_1:
0x0: {  	(tag) =	ssettag $0x1  }
0x1: {  	s1 =	rddreg [dreg:$0x0]  }
0x2: {  	s4 =	rddreg [dreg:$0x1];
	s2 =	srdreg.scid  }
0x3: {  	s0 =	stileid.u32;
	s8 =	rddreg [dreg:$0x2]  }
0x4: {  	s3 =	simm.s32 $0x0;
	s13 =	simm.s32 $0x80;
	s14 =	simm.s32 $0x1000  }
0x5: {  	s15 =	simm.s32 $0x5000;
	s16 =	simm.s32 $0x100;
	s17 =	simm.s32 $0x9000  }
0x6: {  	s18 =	simm.s32 $0x180;
	s19 =	simm.s32 $0xD000;
	s20 =	simm.s32 $0x200  }
0x7: {  	s21 =	simm.s32 $0x11000;
	s22 =	simm.s32 $0x1;
	s23 =	simm.s32 $0x2  }
0x8: {  	s24 =	simm.s32 $0x3;
	s25 =	simm.s32 $0x4;
	s26 =	simm.s32 $0x5  }
0x9: {  	s28 =	simm.s32 $0x0;
	s6 =	sand.u32 $0x1, s2;
	s5 =	sshll.u32 s0, $0x1  }
0xa: {  	[smem:$0x7FF] =	sst s3;
	s11 =	smul.u32 $0x19000, s0;
	s5 =	sor.u32 s6, s5  }
0xb: {  	_ =	strace $0x80000047;
	s9 =	ssub.s32 $0x2, s6;
	s12 =	smul.u32 $0xC800, s6  }
0xc: {  	s7 =	smul.u32 $0x64000, s5;
	s5 =	sshll.u32 s5, $0x9;
	s30 =	sshrl.u32 s9, $0x1  }
0xd: {  	s11 =	sadd.s32 s11, s8;
	s4 =	sadd.s32 s5, s4;
	s10 =	ssub.s32 s9, s30  }
0xe: {  	s11 =	sadd.s32 s12, s11;
	s12 =	simm.s32 $0x6;
	s7 =	sshrl.u32 s7, $0x3  }
0xf: {  	s4 =	sadd.s32 $0x400, s4;
	s10 =	smax.u32 s10, $0x1;
	s31 =	sadd.s32 s8, s7  }
0x10: {  	s11 =	sadd.s32 $0x2000, s11;
	s5 =	sadd.s32 $0xA000, s31;
	s6 =	sadd.s32 $0xA800, s31  }
0x11: {  	s7 =	sadd.s32 $0xB000, s31;
	s8 =	sadd.s32 $0xB800, s31;
	s9 =	sadd.s32 $0xC000, s31  }
.LBB2_1:
0x12: {  	[tilespmem:s3], [sflag:$0x6] =	stream.linear.gather [hbm4b:s4+s3], $0xC80, $0x38;
	[tilespmem:$0x15000] =	vst v63  }
0x13: {  	_ =	swait.ge [sflag:s12], $0xC80  }
0x14: {  	[sflag:s12] =	ssyncset.done $0x0  }
0x15: {  	[sflag:s12] =	ssyncadd.s32 $0xFFFFF380  }
0x16: {  	[tilespmem:s14], [sflag:$0x1] =	stream.indirect.gather [hbm4b:s1+s13], $0x80, s3, s13, $0xb8;
	[tilespmem:$0x15000] =	vst v63  }
0x17: {  	_ = 	snop  }
0x18: {  	[tilespmem:s15], [sflag:$0x2] =	stream.indirect.gather [hbm4b:s1+s13], $0x80, s13, s13, $0xb8;
	[tilespmem:$0x15000] =	vst v63  }
0x19: {  	_ = 	snop  }
0x1a: {  	[tilespmem:s17], [sflag:$0x3] =	stream.indirect.gather [hbm4b:s1+s13], $0x80, s16, s13, $0xb8;
	[tilespmem:$0x15000] =	vst v63  }
0x1b: {  	_ = 	snop  }
0x1c: {  	[tilespmem:s19], [sflag:$0x4] =	stream.indirect.gather [hbm4b:s1+s13], $0x80, s18, s13, $0xb8;
	[tilespmem:$0x15000] =	vst v63  }
0x1d: {  	_ = 	snop  }
0x1e: {  	[tilespmem:s21], [sflag:$0x5] =	stream.indirect.gather [hbm4b:s1+s13], $0x80, s20, s13, $0xb8;
	[tilespmem:$0x15000] =	vst v63  }
0x1f: {  	_ =	swait.ge [sflag:s22], $0x4000  }
0x20: {  	[sflag:s22] =	ssyncset.done $0x0  }
0x21: {  	s29 =	sadd.s32 $0xFFFFE000, s11;
	[sflag:s22] =	ssyncadd.s32 $0xFFFFC000  }
0x22: {  	[hbm4b:s29+s3] =	stream.linear.scatter [tilespmem:s14], [sflag:$0x6], $0x4000, $0x38;
	[tilespmem:$0x15000] =	vst v63  }
0x23: {  	_ =	swait.ge [sflag:s12], $0x4000  }
0x24: {  	[sflag:s12] =	ssyncset.done $0x0  }
0x25: {  	s29 =	simm.s32 $0x280;
	[sflag:s12] =	ssyncadd.s32 $0xFFFFC000  }
0x26: {  	[tilespmem:s14], [sflag:$0x1] =	stream.indirect.gather [hbm4b:s1+s13], $0x80, s29, s13, $0xb8;
	[tilespmem:$0x15000] =	vst v63  }
0x27: {  	_ =	swait.ge [sflag:s23], $0x4000  }
0x28: {  	[sflag:s23] =	ssyncset.done $0x0  }
0x29: {  	s29 =	sadd.s32 $0xFFFFE800, s11;
	[sflag:s23] =	ssyncadd.s32 $0xFFFFC000  }
0x2a: {  	[hbm4b:s29+s3] =	stream.linear.scatter [tilespmem:s15], [sflag:$0x6], $0x4000, $0x38;
	[tilespmem:$0x15000] =	vst v63  }
0x2b: {  	_ =	swait.ge [sflag:s12], $0x4000  }
0x2c: {  	[sflag:s12] =	ssyncset.done $0x0  }
0x2d: {  	s29 =	simm.s32 $0x300;
	[sflag:s12] =	ssyncadd.s32 $0xFFFFC000  }
0x2e: {  	[tilespmem:s15], [sflag:$0x2] =	stream.indirect.gather [hbm4b:s1+s13], $0x80, s29, s13, $0xb8;
	[tilespmem:$0x15000] =	vst v63  }
0x2f: {  	_ =	swait.ge [sflag:s24], $0x4000  }
0x30: {  	[sflag:s24] =	ssyncset.done $0x0  }
0x31: {  	s29 =	sadd.s32 $0xFFFFF000, s11;
	[sflag:s24] =	ssyncadd.s32 $0xFFFFC000  }
0x32: {  	[hbm4b:s29+s3] =	stream.linear.scatter [tilespmem:s17], [sflag:$0x6], $0x4000, $0x38;
	[tilespmem:$0x15000] =	vst v63  }
0x33: {  	_ =	swait.ge [sflag:s12], $0x4000  }
0x34: {  	[sflag:s12] =	ssyncset.done $0x0  }
0x35: {  	s29 =	simm.s32 $0x380;
	[sflag:s12] =	ssyncadd.s32 $0xFFFFC000  }
0x36: {  	[tilespmem:s17], [sflag:$0x3] =	stream.indirect.gather [hbm4b:s1+s13], $0x80, s29, s13, $0xb8;
	[tilespmem:$0x15000] =	vst v63  }
0x37: {  	_ =	swait.ge [sflag:s25], $0x4000  }
0x38: {  	[sflag:s25] =	ssyncset.done $0x0  }
0x39: {  	s29 =	sadd.s32 $0xFFFFF800, s11;
	[sflag:s25] =	ssyncadd.s32 $0xFFFFC000  }
0x3a: {  	[hbm4b:s29+s3] =	stream.linear.scatter [tilespmem:s19], [sflag:$0x6], $0x4000, $0x38;
	[tilespmem:$0x15000] =	vst v63  }
0x3b: {  	_ =	swait.ge [sflag:s12], $0x4000  }
0x3c: {  	[sflag:s12] =	ssyncset.done $0x0  }
0x3d: {  	s29 =	simm.s32 $0x400;
	[sflag:s12] =	ssyncadd.s32 $0xFFFFC000  }
0x3e: {  	[tilespmem:s19], [sflag:$0x4] =	stream.indirect.gather [hbm4b:s1+s13], $0x80, s29, s13, $0xb8;
	[tilespmem:$0x15000] =	vst v63  }
0x3f: {  	_ =	swait.ge [sflag:s26], $0x4000  }
0x40: {  	[sflag:s26] =	ssyncset.done $0x0  }
0x41: {  	[sflag:s26] =	ssyncadd.s32 $0xFFFFC000  }
0x42: {  	[hbm4b:s11+s3] =	stream.linear.scatter [tilespmem:s21], [sflag:$0x6], $0x4000, $0x38;
	[tilespmem:$0x15000] =	vst v63  }
0x43: {  	_ =	swait.ge [sflag:s12], $0x4000  }
0x44: {  	s31 =	simm.s32 $0x480;
	[sflag:s12] =	ssyncset.done $0x0  }
0x45: {  	s30 =	sadd.s32 $0x2800, s11;
	s29 =	simm.s32 $0xA00;
	[sflag:s12] =	ssyncadd.s32 $0xFFFFC000  }
.LBB2_2:
0x46: {  	[tilespmem:s21], [sflag:$0x5] =	stream.indirect.gather [hbm4b:s1+s13], $0x80, s31, s13, $0xb8;
	[tilespmem:$0x15000] =	vst v63  }
0x47: {  	s31 =	smov.u32 s29  }
0x48: {  	p0 =	sne.s32 s29, $0x1E00;
	s29 =	sadd.s32 $0xA00, s29;
	_ =	swait.ge [sflag:s22], $0x4000  }
0x49: {  	[sflag:s22] =	ssyncset.done $0x0  }
0x4a: {  	s2 =	sadd.s32 $0xFFFFE000, s30;
	[sflag:s22] =	ssyncadd.s32 $0xFFFFC000  }
0x4b: {  	[hbm4b:s2+s3] =	stream.linear.scatter [tilespmem:s14], [sflag:$0x6], $0x4000, $0x38;
	[tilespmem:$0x15000] =	vst v63  }
0x4c: {  	_ =	swait.ge [sflag:s12], $0x4000  }
0x4d: {  	s31 =	sshra.s32 s31, $0x2;
	[sflag:s12] =	ssyncset.done $0x0  }
0x4e: {  	s2 =	sadd.s32 $0x280, s31;
	[sflag:s12] =	ssyncadd.s32 $0xFFFFC000  }
0x4f: {  	[tilespmem:s14], [sflag:$0x1] =	stream.indirect.gather [hbm4b:s1+s13], $0x80, s2, s13, $0xb8;
	[tilespmem:$0x15000] =	vst v63  }
0x50: {  	_ =	swait.ge [sflag:s23], $0x4000  }
0x51: {  	[sflag:s23] =	ssyncset.done $0x0  }
0x52: {  	s2 =	sadd.s32 $0xFFFFE800, s30;
	[sflag:s23] =	ssyncadd.s32 $0xFFFFC000  }
0x53: {  	[hbm4b:s2+s3] =	stream.linear.scatter [tilespmem:s15], [sflag:$0x6], $0x4000, $0x38;
	[tilespmem:$0x15000] =	vst v63  }
0x54: {  	_ =	swait.ge [sflag:s12], $0x4000  }
0x55: {  	[sflag:s12] =	ssyncset.done $0x0  }
0x56: {  	s2 =	sadd.s32 $0x300, s31;
	[sflag:s12] =	ssyncadd.s32 $0xFFFFC000  }
0x57: {  	[tilespmem:s15], [sflag:$0x2] =	stream.indirect.gather [hbm4b:s1+s13], $0x80, s2, s13, $0xb8;
	[tilespmem:$0x15000] =	vst v63  }
0x58: {  	_ =	swait.ge [sflag:s24], $0x4000  }
0x59: {  	[sflag:s24] =	ssyncset.done $0x0  }
0x5a: {  	s2 =	sadd.s32 $0xFFFFF000, s30;
	[sflag:s24] =	ssyncadd.s32 $0xFFFFC000  }
0x5b: {  	[hbm4b:s2+s3] =	stream.linear.scatter [tilespmem:s17], [sflag:$0x6], $0x4000, $0x38;
	[tilespmem:$0x15000] =	vst v63  }
0x5c: {  	_ =	swait.ge [sflag:s12], $0x4000  }
0x5d: {  	[sflag:s12] =	ssyncset.done $0x0  }
0x5e: {  	s2 =	sadd.s32 $0x380, s31;
	[sflag:s12] =	ssyncadd.s32 $0xFFFFC000  }
0x5f: {  	[tilespmem:s17], [sflag:$0x3] =	stream.indirect.gather [hbm4b:s1+s13], $0x80, s2, s13, $0xb8;
	[tilespmem:$0x15000] =	vst v63  }
0x60: {  	_ =	swait.ge [sflag:s25], $0x4000  }
0x61: {  	[sflag:s25] =	ssyncset.done $0x0  }
0x62: {  	s2 =	sadd.s32 $0xFFFFF800, s30;
	[sflag:s25] =	ssyncadd.s32 $0xFFFFC000  }
0x63: {  	[hbm4b:s2+s3] =	stream.linear.scatter [tilespmem:s19], [sflag:$0x6], $0x4000, $0x38;
	[tilespmem:$0x15000] =	vst v63  }
0x64: {  	_ =	swait.ge [sflag:s12], $0x4000  }
0x65: {  	[sflag:s12] =	ssyncset.done $0x0  }
0x66: {  	s2 =	sadd.s32 $0x400, s31;
	[sflag:s12] =	ssyncadd.s32 $0xFFFFC000  }
0x67: {  	[tilespmem:s19], [sflag:$0x4] =	stream.indirect.gather [hbm4b:s1+s13], $0x80, s2, s13, $0xb8;
	[tilespmem:$0x15000] =	vst v63  }
0x68: {  	_ =	swait.ge [sflag:s26], $0x4000  }
0x69: {  	[sflag:s26] =	ssyncset.done $0x0  }
.Ltmp0:
0x6a: {  	[sflag:s26] =	ssyncadd.s32 $0xFFFFC000;
	(pc) =	sbr.rel @p0 .LBB2_2-.Ltmp0, $4  }
0x6b: {  	[hbm4b:s30+s3] =	stream.linear.scatter [tilespmem:s21], [sflag:$0x6], $0x4000, $0x38;
	[tilespmem:$0x15000] =	vst v63  }
0x6c: {  	_ =	swait.ge [sflag:s12], $0x4000  }
0x6d: {  	[sflag:s12] =	ssyncset.done $0x0  }
0x6e: {  	s31 =	sadd.s32 $0x480, s31;
	s30 =	sadd.s32 $0x2800, s30;
	[sflag:s12] =	ssyncadd.s32 $0xFFFFC000  }
0x6f: {  	[tilespmem:s21], [sflag:$0x5] =	stream.indirect.gather [hbm4b:s1+s13], $0x80, s31, s13, $0xb8;
	[tilespmem:$0x15000] =	vst v63  }
0x70: {  	_ =	swait.ge [sflag:s22], $0x4000  }
0x71: {  	[sflag:s22] =	ssyncset.done $0x0  }
0x72: {  	[sflag:s22] =	ssyncadd.s32 $0xFFFFC000  }
0x73: {  	[hbm4b:s5+s3] =	stream.linear.scatter [tilespmem:s14], [sflag:$0x6], $0x4000, $0x38;
	[tilespmem:$0x15000] =	vst v63  }
0x74: {  	_ =	swait.ge [sflag:s12], $0x4000  }
0x75: {  	[sflag:s12] =	ssyncset.done $0x0  }
0x76: {  	[sflag:s12] =	ssyncadd.s32 $0xFFFFC000  }
0x77: {  	_ =	swait.ge [sflag:s23], $0x4000  }
0x78: {  	[sflag:s23] =	ssyncset.done $0x0  }
0x79: {  	[sflag:s23] =	ssyncadd.s32 $0xFFFFC000  }
0x7a: {  	[hbm4b:s6+s3] =	stream.linear.scatter [tilespmem:s15], [sflag:$0x6], $0x4000, $0x38;
	[tilespmem:$0x15000] =	vst v63  }
0x7b: {  	_ =	swait.ge [sflag:s12], $0x4000  }
0x7c: {  	[sflag:s12] =	ssyncset.done $0x0  }
0x7d: {  	[sflag:s12] =	ssyncadd.s32 $0xFFFFC000  }
0x7e: {  	_ =	swait.ge [sflag:s24], $0x4000  }
0x7f: {  	[sflag:s24] =	ssyncset.done $0x0  }
0x80: {  	[sflag:s24] =	ssyncadd.s32 $0xFFFFC000  }
0x81: {  	[hbm4b:s7+s3] =	stream.linear.scatter [tilespmem:s17], [sflag:$0x6], $0x4000, $0x38;
	[tilespmem:$0x15000] =	vst v63  }
0x82: {  	_ =	swait.ge [sflag:s12], $0x4000  }
0x83: {  	[sflag:s12] =	ssyncset.done $0x0  }
0x84: {  	[sflag:s12] =	ssyncadd.s32 $0xFFFFC000  }
0x85: {  	_ =	swait.ge [sflag:s25], $0x4000  }
0x86: {  	[sflag:s25] =	ssyncset.done $0x0  }
0x87: {  	[sflag:s25] =	ssyncadd.s32 $0xFFFFC000  }
0x88: {  	[hbm4b:s8+s3] =	stream.linear.scatter [tilespmem:s19], [sflag:$0x6], $0x4000, $0x38;
	[tilespmem:$0x15000] =	vst v63  }
0x89: {  	_ =	swait.ge [sflag:s12], $0x4000  }
0x8a: {  	[sflag:s12] =	ssyncset.done $0x0  }
0x8b: {  	[sflag:s12] =	ssyncadd.s32 $0xFFFFC000  }
0x8c: {  	s28 =	sadd.s32 $0x1, s28;
	_ =	swait.ge [sflag:s26], $0x4000  }
0x8d: {  	p0 =	sne.s32 s28, s10;
	[sflag:s26] =	ssyncset.done $0x0  }
.Ltmp1:
0x8e: {  	[sflag:s26] =	ssyncadd.s32 $0xFFFFC000;
	(pc) =	sbr.rel @p0 .LBB2_1-.Ltmp1, $4  }
0x8f: {  	[hbm4b:s9+s3] =	stream.linear.scatter [tilespmem:s21], [sflag:$0x6], $0x4000, $0x38;
	[tilespmem:$0x15000] =	vst v63  }
0x90: {  	_ =	swait.ge [sflag:s12], $0x4000  }
0x91: {  	[sflag:s12] =	ssyncset.done $0x0  }
0x92: {  	[sflag:s12] =	ssyncadd.s32 $0xFFFFC000  }
0x93: {  	_ =	sfence.sel $0x180000  }
0x94: {  	[bflag:$0x0] =	sbarrier.arrive $0xFFFF  }
0x95: {  	_ =	strace $0x90000047  }
0x96: {  	[bflag:$0x2] =	sbarrier.arrive $0xFFFF  }
0x97: {  	p0 =	sne.s32 s0, $0x0;
	s0 =	rddreg [dreg:$0x3]  }
0x98: {  	s0 =	sadd.s32 @!p0 $0x100000, s0  }
0x99: {  	[sflag:s0] =	ssyncadd.tile.s32 @!p0 $0x1;
	_ =	shalt  }
.Lfunc_end2:
_tile_overlayer_lowered:
.L_overlay_start_2:
0x9a: {  	(tag) =	ssettag $0x2  }
0x9b: {  	s0 =	rddreg [dreg:$0x0];
	s2 =	stileid.u32  }
0x9c: {  	s1 =	rddreg [dreg:$0x1];
	p0 =	sne.s32 s2, $0x0  }
0x9d: {  	s3 =	rddreg [dreg:$0x2];
	[bflag:$0x3] =	sbarrier.arrive $0xFFFF;
	s2 =	simm.s32 @!p0 $0x1C06  }
0x9e: {  	[timem:s3], [sflag:s2] =	dma.local @!p0 [hbm:s0], s1  }
0x9f: {  	s0 =	simm.s32 @!p0 $0x6  }
0xa0: {  	_ =	swait.ge @!p0 [sflag:s0], s1  }
0xa1: {  	s1 =	ssub.s32 @!p0 $0x0, s1;
	[sflag:s0] =	ssyncset.done @!p0 $0x0  }
0xa2: {  	[sflag:s0] =	ssyncadd.s32 @!p0 s1  }
0xa3: {  	[bflag:$0x3] =	sbarrier.arrive $0xFFFF  }
0xa4: {  	_ =	shalt  }

</sc_bundles>
